<compile_context>
chip_gen: v7x
topology: tpu7x:2x2x1
jax: 0.10.2.dev20260603
libtpu: 0.0.44.dev20260713+nightly
codegen_flags: <defaults>
</compile_context>

<pallas_src>
import jax
import jax.numpy as jnp
from jax.experimental import pallas as pl
from jax.experimental.pallas import tpu as pltpu

B, H, S, D = 8, 16, 4096, 64
Q = 32
BH = B * H


def _tc_body(kv_ref, vv_ref, ko_ref, vo_ref):
    z = jnp.zeros((1, S - Q, D), jnp.float32)
    ko_ref[...] = jnp.concatenate([kv_ref[...], z], axis=1)
    vo_ref[...] = jnp.concatenate([vv_ref[...], z], axis=1)


@jax.jit
def _tc_update(k_val, v_val, index, k_cache, v_cache):
    kv = k_val.reshape(BH, Q, D)
    vv = v_val.reshape(BH, Q, D)

    ko, vo = pl.pallas_call(
        _tc_body,
        grid=(BH,),
        in_specs=[
            pl.BlockSpec((1, Q, D), lambda i: (i, 0, 0)),
            pl.BlockSpec((1, Q, D), lambda i: (i, 0, 0)),
        ],
        out_specs=[
            pl.BlockSpec((1, S, D), lambda i: (i, 0, 0)),
            pl.BlockSpec((1, S, D), lambda i: (i, 0, 0)),
        ],
        out_shape=[
            jax.ShapeDtypeStruct((BH, S, D), jnp.float32),
            jax.ShapeDtypeStruct((BH, S, D), jnp.float32),
        ],
    )(kv, vv)
    return ko.reshape(B, H, S, D), vo.reshape(B, H, S, D)


def kernel(k_val, v_val, index, k_cache, v_cache):
    return _tc_update(k_val, v_val, index, k_cache, v_cache)

# --- scband reference (transcript-rebuilt; emitter-appended) ---
"""Pipeline reference for scband-kvcache-9603546874180 (READ-ONLY COPY).

The authoritative reference and input builder live on the scoring server;
editing this copy changes nothing except your own understanding.
"""

import jax, jax.numpy as jnp
import numpy as np

B, H, S, D = 8, 16, 4096, 64
Q = 32


def setup_inputs(seed: int = 0) -> dict:
    key = jax.random.key(seed)
    k1, k2 = jax.random.split(key)
    k_val = jax.random.normal(k1, (B, H, Q, D), dtype=jnp.float32)
    v_val = jax.random.normal(k2, (B, H, Q, D), dtype=jnp.float32)
    index = jnp.arange(Q, dtype=jnp.int32)
    k_cache = jnp.zeros((B, H, S, D), dtype=jnp.float32)
    v_cache = jnp.zeros((B, H, S, D), dtype=jnp.float32)
    return {
        "k_val": k_val,
        "v_val": v_val,
        "index": index,
        "k_cache": k_cache,
        "v_cache": v_cache,
    }


def reference(k_val, v_val, index, k_cache, v_cache):
    # self.k[:, :, index] = k_val ; self.v[:, :, index] = v_val ; return (self.k, self.v)
    k_new = k_cache.at[:, :, index].set(k_val)
    v_new = v_cache.at[:, :, index].set(v_val)
    return (k_new, v_new)

if __name__ == "__main__":
    import jax
    _d = setup_inputs()
    print(jax.jit(kernel)(*tuple(_d.values())))

</pallas_src>

<mosaic_0001>
module attributes {stable_mosaic.version = 14 : i64} {
  func.func @_tc_body(%arg0: i32, %arg1: memref<1x32x64xf32, #tpu.memory_space<vmem>>, %arg2: memref<1x32x64xf32, #tpu.memory_space<vmem>>, %arg3: memref<1x4096x64xf32, #tpu.memory_space<vmem>>, %arg4: memref<1x4096x64xf32, #tpu.memory_space<vmem>>) attributes {dimension_semantics = [#tpu.dimension_semantics<arbitrary>], iteration_bounds = array<i64: 128>, scalar_prefetch = 0 : i64, scratch_operands = 0 : i64, tpu.core_type = #tpu.core_type<tc>, window_params = [{transform_indices = @transform_0, window_bounds = array<i64: 1, 32, 64>}, {transform_indices = @transform_1, window_bounds = array<i64: 1, 32, 64>}, {transform_indices = @transform_2, window_bounds = array<i64: 1, 4096, 64>}, {transform_indices = @transform_3, window_bounds = array<i64: 1, 4096, 64>}]} {
    %broadcast_in_dim3A = arith.constant 0.000000e+00 : f32
    %broadcast_in_dim3A_0 = vector.broadcast %broadcast_in_dim3A : f32 to vector<1x4064x64xf32>
    %get3A = arith.constant 0 : index
    %get3A_1 = arith.constant 0 : index
    %get3A_2 = arith.constant 0 : index
    %get3A_3 = vector.load %arg1[%get3A, %get3A_1, %get3A_2] : memref<1x32x64xf32, #tpu.memory_space<vmem>>, vector<1x32x64xf32>
    %concatenate3A = tpu.concatenate %get3A_3, %broadcast_in_dim3A_0 in 1 : vector<1x32x64xf32>, vector<1x4064x64xf32> -> vector<1x4096x64xf32>
    %swap3A = arith.constant 0 : index
    %swap3A_4 = arith.constant 0 : index
    %swap3A_5 = arith.constant 0 : index
    %swap3A_6 = vector.load %arg3[%swap3A, %swap3A_4, %swap3A_5] : memref<1x4096x64xf32, #tpu.memory_space<vmem>>, vector<1x4096x64xf32>
    tpu.vector_store %arg3[%swap3A, %swap3A_4, %swap3A_5], %concatenate3A {strides = array<i32>} : memref<1x4096x64xf32, #tpu.memory_space<vmem>>, vector<1x4096x64xf32>,
    %get3A_7 = arith.constant 0 : index
    %get3A_8 = arith.constant 0 : index
    %get3A_9 = arith.constant 0 : index
    %get3A_10 = vector.load %arg2[%get3A_7, %get3A_8, %get3A_9] : memref<1x32x64xf32, #tpu.memory_space<vmem>>, vector<1x32x64xf32>
    %concatenate3A_11 = tpu.concatenate %get3A_10, %broadcast_in_dim3A_0 in 1 : vector<1x32x64xf32>, vector<1x4064x64xf32> -> vector<1x4096x64xf32>
    %swap3A_12 = arith.constant 0 : index
    %swap3A_13 = arith.constant 0 : index
    %swap3A_14 = arith.constant 0 : index
    %swap3A_15 = vector.load %arg4[%swap3A_12, %swap3A_13, %swap3A_14] : memref<1x4096x64xf32, #tpu.memory_space<vmem>>, vector<1x4096x64xf32>
    tpu.vector_store %arg4[%swap3A_12, %swap3A_13, %swap3A_14], %concatenate3A_11 {strides = array<i32>} : memref<1x4096x64xf32, #tpu.memory_space<vmem>>, vector<1x4096x64xf32>,
    return
  }
  func.func @transform_0(%arg0: i32) -> (i32, i32, i32) {
    %c0_i32 = arith.constant 0 : i32
    %c0_i32_0 = arith.constant 0 : i32
    %c0_i32_1 = arith.constant 0 : i32
    return %arg0, %c0_i32, %c0_i32_0 : i32, i32, i32
  }
  func.func @transform_1(%arg0: i32) -> (i32, i32, i32) {
    %c0_i32 = arith.constant 0 : i32
    %c0_i32_0 = arith.constant 0 : i32
    %c0_i32_1 = arith.constant 0 : i32
    return %arg0, %c0_i32, %c0_i32_0 : i32, i32, i32
  }
  func.func @transform_2(%arg0: i32) -> (i32, i32, i32) {
    %c0_i32 = arith.constant 0 : i32
    %c0_i32_0 = arith.constant 0 : i32
    %c0_i32_1 = arith.constant 0 : i32
    return %arg0, %c0_i32, %c0_i32_0 : i32, i32, i32
  }
  func.func @transform_3(%arg0: i32) -> (i32, i32, i32) {
    %c0_i32 = arith.constant 0 : i32
    %c0_i32_0 = arith.constant 0 : i32
    %c0_i32_1 = arith.constant 0 : i32
    return %arg0, %c0_i32, %c0_i32_0 : i32, i32, i32
  }
}

</mosaic_0001>

<sc_bundles>
// kernel: sparse-core-data-format-call.1.cloned.1.call-start
scs
called_computation.1_lowered:
.L_overlay_start_0:
0x0: {  	s2 =	sld [smem:$0x3FD9]  }
0x1: {  	s3 =	sld [smem:$0x3FFE];
	_ =	sdelay $0x1  }
0x2: {  	s1 =	srdreg.scid  }
0x3: {  	s0 =	sand.u32 $0x1, s1  }
0x4: {  	s16 =	sshll.u32 s0, $0xA;
	s2 =	sadd.s32 s3, s2  }
0x5: {  	s2 =	sadd.s32 s2, s16  }
0x6: {  	[smem:$0x3FC6] =	sst s2  }
0x7: {  	_ = 	snop  }
0x8: {  	s2 =	sld [smem:$0x3FD0];
	_ =	sdelay $0x2  }
0x9: {  	s17 =	simm.s32 $0xB;
	s4 =	simm.s32 $0x10  }
0xa: {  	[smem:s4], [sflag:s17] =	dma.local [hbm:s2], $0x1  }
0xb: {  	_ =	swait.eq [sflag:s17], $0x1  }
0xc: {  	[sflag:s17] =	ssyncset.done $0x0  }
0xd: {  	[sflag:s17] =	ssyncadd.s32 $0xFFFFFFFF  }
0xe: {  	s18 =	sld [smem:$0x10];
	(tm) =	ssettm $0x1  }
0xf: {  	s19 =	sld [smem:$0x3FFB];
	_ =	sdelay $0x3  }
0x10: {  	_ =	strace s19  }
0x11: {  	s2 =	sld [smem:$0x3FFC];
	_ =	sdelay $0x3  }
0x12: {  	_ =	strace s2  }
0x13: {  	s2 =	sld [smem:$0x3FFD];
	_ =	sdelay $0x3  }
0x14: {  	_ =	strace s2  }
0x15: {  	_ =	strace $0x8FFFFFFF  }
0x16: {  	s20 =	sld [smem:$0x3FDB];
	_ =	sdelay $0x1  }
0x17: {  	s21 =	simm.s32 $_scs_section_size  }
0x18: {  	s5 =	simm.s32 $_size__tile_overlayer_lowered;
	s6 =	simm.s32 $_tile_overlayer_lowered  }
0x19: {  	s7 =	simm.s32 $0x1BFF;
	s22 =	sshll.u32 s6, $0x1;
	s4 =	sadd.s32 s21, s20  }
0x1a: {  	s23 =	simm.s32 $0x0;
	s5 =	sshll.u32 s5, $0x1;
	s6 =	sadd.s32 s22, s4  }
0x1b: {  	[timem:s23], [sflag:s7] =	dma.local [hbm:s6], s5  }
0x1c: {  	_ =	swait.ge [sflag:s7], s5  }
0x1d: {  	s5 =	ssub.s32 $0x0, s5;
	[sflag:s7] =	ssyncset.done $0x0  }
0x1e: {  	[sflag:s7] =	ssyncadd.s32 s5;
	_ =	sdelay $0x1  }
0x1f: {  	s24 =	simm.s32 $0x1B8B  }
0x20: {  	_ =	swait.ge [sflag:s24], $0x1  }
0x21: {  	[sflag:s24] =	ssyncset.done $0x0  }
0x22: {  	[sflag:s24] =	ssyncadd.s32 $0xFFFFFFFF  }
0x23: {  	s5 =	sld [smem:$0x0]  }
0x24: {  	s6 =	sand.u32 $0xFFFFFFFE, s1  }
0x25: {  	p0 =	sne.s32 s1, s6  }
0x26: {  	s6 =	sshll.u32 @p0 s6, $0xE  }
0x27: {  	s6 =	sadd.s32 @p0 $0x11B8D, s6;
	s7 =	sshll.u32 @p0 s5, $0x11  }
0x28: {  	s6 =	sor.u32 @p0 s7, s6  }
0x29: {  	[sflag:s6] =	ssyncadd.remote.s32 @p0 $0x1;
	_ =	sdelay $0x1  }
0x2a: {  	s6 =	simm.s32 @p0 $0x1B8D  }
0x2b: {  	_ =	swait.eq @p0 [sflag:s6], $0x1  }
0x2c: {  	[sflag:s6] =	ssyncadd.s32 @p0 $0xFFFFFFFF  }
0x2d: {  	s7 =	sshll.u32 @!p0 s1, $0xE  }
0x2e: {  	s7 =	sor.u32 @!p0 $0x4000, s7;
	s6 =	simm.s32 @!p0 $0x1B8D  }
0x2f: {  	s5 =	sshll.u32 @!p0 s5, $0x11;
	s7 =	sadd.s32 @!p0 $0x11B8D, s7;
	_ =	swait.eq @!p0 [sflag:s6], $0x1  }
0x30: {  	s5 =	sor.u32 @!p0 s5, s7;
	[sflag:s6] =	ssyncadd.s32 @!p0 $0xFFFFFFFF  }
0x31: {  	s26 =	simm.s32 $0x1B8E;
	s25 =	sld [smem:$0x3FFE];
	[sflag:s5] =	ssyncadd.remote.s32 @!p0 $0x1  }
0x32: {  	s27 =	simm.s32 $execute0_lowered;
	[smem:$0x3FD2] =	sst s26  }
0x33: {  	s6 =	sshll.u32 s27, $0x1;
	_ =	strace $0x80000049;
	[dreg:$0x1] =	wrdreg $0xFFFFFFFF  }
0x34: {  	s28 =	simm.s32 $_size_execute0_lowered;
	s4 =	sadd.s32 s4, s6;
	[dreg:$0x0] =	wrdreg $0x0  }
0x35: {  	s6 =	sshll.u32 s28, $0x1;
	[dreg:$0x2] =	wrdreg s4  }
0x36: {  	[dreg:$0x3] =	wrdreg s6  }
0x37: {  	[dreg:$0x4] =	wrdreg $0xC0  }
0x38: {  	_ =	task [dreg:s23], $0x5FFFF  }
0x39: {  	[dreg:$0x1] =	wrdreg $0xFFFFFFFF  }
0x3a: {  	[dreg:$0x0] =	wrdreg $0x60  }
0x3b: {  	[dreg:$0x2] =	wrdreg s25  }
0x3c: {  	[dreg:$0x3] =	wrdreg s18  }
0x3d: {  	[dreg:$0x4] =	wrdreg $0xA  }
0x3e: {  	_ =	task.clear_ibuf [dreg:s23], $0x5FFFF;
	_ =	strace $0x90000049  }
0x3f: {  	s29 =	simm.s32 $0xA;
	_ =	strace $0x8000004B  }
0x40: {  	_ =	swait.ge [sflag:s29], $0x1  }
0x41: {  	[sflag:s29] =	ssyncadd.s32 $0xFFFFFFFF  }
0x42: {  	_ =	strace $0x9000004B  }
0x43: {  	_ =	sfence  }
0x44: {  	s30 =	sld [smem:$0x0];
	_ =	sdelay $0x2  }
0x45: {  	s31 =	sshll.u32 s1, $0xD;
	s1 =	sshrl.u32 s1, $0x2  }
0x46: {  	s4 =	sand.u32 $0x4000, s31;
	s1 =	sadd.s32 s1, s30  }
0x47: {  	s0 =	sor.u32 s4, s0;
	s1 =	sshll.u32 s1, $0x11  }
0x48: {  	s0 =	sor.u32 s1, s0  }
0x49: {  	s0 =	sadd.s32 $0x8F2B, s0  }
0x4a: {  	[sflag:s0] =	ssyncadd.remote.s32 $0x1  }
0x4b: {  	_ =	sfence.sel $0xFFFF  }
0x4c: {  	[dreg:$0x0] =	wrdreg $0xFFFFFFFF;
	(pc) =	sbr.abs _section_cstart, $3  }
0x4d: {  	[dreg:$0x1] =	wrdreg $0xFFFFFFFF  }
0x4e: {  	_ =	task.clear_ibuf [dreg:s23], $0x2FFFF;
	_ =	strace $0x9FFFFFFF  }
0x4f: {  	(tm) =	ssettm $0x7FFFFFFF  }
tec
execute0_lowered:
.L_overlay_start_1:
0x0: {  	(tag) =	ssettag $0x1  }
0x1: {  	s1 =	srdreg.scid  }
0x2: {  	s0 =	stileid.u32;
	s8 =	rddreg [dreg:$0x0]  }
0x3: {  	s2 =	rddreg [dreg:$0x1];
	s7 =	simm.s32 $0x1;
	s1 =	sshll.u32 s1, $0x4  }
0x4: {  	s9 =	simm.s32 $0x2;
	s15 =	simm.s32 $0x0;
	s1 =	sor.u32 s0, s1  }
0x5: {  	s10 =	simm.s32 $0x8000;
	s16 =	simm.s32 $0x0;
	s1 =	sshrl.u32 s1, $0x2  }
0x6: {  	s17 =	simm.s32 $0x0;
	s11 =	simm.s32 $0x0;
	s3 =	sand.u32 $0x6, s1  }
0x7: {  	s14 =	simm.s32 $0x0;
	s4 =	sadd.s32 $0x800E00, s8;
	s6 =	ssub.s32 $0x10, s3  }
0x8: {  	s8 =	sadd.s32 $0x810E00, s8;
	s1 =	rddreg [dreg:$0x2];
	s5 =	sand.u32 $0x6, s6  }
.Ltmp0:
0x9: {  	_ =	strace $0x8000004A;
	p0 =	sne.s32 s5, $0x0;
	(pc) =	sbr.rel .LBB1_1-.Ltmp0, $4  }
0xa: {  	s6 =	sshrl.u32 s6, $0x3;
	s5 =	simm.s32 $0x1;
	s7 =	simm.s32 @!p0 $0x0  }
0xb: {  	s12 =	smov.u32 s3;
	[sflag:s5] =	ssyncpa.u1 $0x0;
	s7 =	sadd.s32 s7, s6  }
0xc: {  	p0 =	por $0x0, $0x0;
	s6 =	sand.u32 $0x7, s0;
	s7 =	sshll.u32 s7, $0x5  }
0xd: {  	[sflag:s9] =	ssyncpa.u1 $0x0;
	s13 =	smov.u32 s6;
	s9 =	sor.u32 $0x1, s7  }
.LBB1_7:
0xe: {  	s18 =	sadd.s32 $0x80, s11  }
0xf: {  	s15 =	sadd.s32 $0x8, s12;
	s19 =	smov.u32 s12;
	p2 =	sgt.s32 s18, $0xFFF  }
0x10: {  	s19 =	smov.u32 @p2 s15  }
0x11: {  	s21 =	smov.u32 s13;
	s15 =	sadd.s32 $0x8, s13;
	p3 =	sgt.s32 s19, $0xF  }
0x12: {  	s21 =	smov.u32 @p3 s15  }
0x13: {  	s18 =	simm.s32 @p2 $0x0;
	p2 =	sgt.s32 s21, $0x7  }
0x14: {  	p1 =	slt.u32 s14, $0x2;
	s21 =	smov.u32 @p2 s6;
	p2 =	sne.s32 s14, s9  }
.Ltmp1:
0x15: {  	s20 =	simm.s32 @!p1 $0x2;
	(pc) =	sbr.rel @!p2 .LBB1_8-.Ltmp1, $4  }
0x16: {  	s16 =	smov.u32 s12;
	s17 =	smov.u32 s13;
	_ =	swait.ge @!p1 [sflag:s20], $0x4000  }
0x17: {  	p0 =	por !p0, !p0;
	[sflag:s20] =	ssyncset.done @!p1 $0x0;
	s19 =	smov.u32 @p3 s3  }
0x18: {  	s15 =	smov.u32 s11;
	[sflag:s20] =	ssyncadd.s32 @!p1 $0xFFFFC000;
	s11 =	smov.u32 s18  }
0x19: {  	s12 =	smov.u32 s19;
	s14 =	sadd.s32 $0x1, s14;
	s13 =	smov.u32 s21  }
.LBB1_1:
0x1a: {  	p1 =	sge.u32 s14, s7  }
0x1b: {  	s18 =	sxor.u32 @!p1 $0xFFFFFFFF, s14;
	s19 =	sshll.u32 @!p1 s13, $0x14  }
0x1c: {  	s20 =	sshll.u32 @!p1 s12, $0x10;
	s22 =	sshll.u32 @!p1 s11, $0x4;
	s23 =	simm.s32 @!p1 $0x40  }
0x1d: {  	s24 =	simm.s32 @!p1 $0x80;
	s18 =	sshll.u32 @!p1 s18, $0xE;
	s21 =	sadd.s32 @!p1 s19, s20  }
0x1e: {  	s22 =	sand.u32 @!p1 $0xFFF0, s22;
	s19 =	sadd.s32 @!p1 s19, s8;
	s21 =	sadd.s32 @!p1 s4, s21  }
0x1f: {  	s18 =	sand.u32 @!p1 $0x4000, s18;
	s19 =	sadd.s32 @!p1 s20, s19;
	s21 =	sadd.s32 @!p1 s22, s21  }
0x20: {  	[tilespmem:s18], [sflag:$0x1] =	stream.strided.gather @!p1 [hbm4b:s21+s23], $0x2000, s24, s23, $0x38;
	[tilespmem:$0x10100] =	vst v63  }
0x21: {  	s31 =	sadd.s32 $0xFFFFFFFF, s14;
	s19 =	sadd.s32 @!p1 s22, s19;
	s18 =	sor.u32 @!p1 $0x2000, s18  }
0x22: {  	[tilespmem:s18], [sflag:$0x1] =	stream.strided.gather @!p1 [hbm4b:s19+s23], $0x2000, s24, s23, $0x38;
	[tilespmem:$0x10100] =	vst v63  }
0x23: {  	p1 =	sge.u32 s31, s7  }
.Ltmp2:
0x24: {  	_ = 	snop;
	(pc) =	sbr.rel @p1 .LBB1_7-.Ltmp2, $1  }
0x25: {  	_ =	sdelay $0x3  }
0x26: {  	s18 =	simm.s32 $0x1;
	s20 =	sand.u32 $0x1, s14  }
0x27: {  	_ =	swait.ge [sflag:s5], $0x4000;
	s18 =	simm.s32 @!p0 $0x0;
	s20 =	smul.u32 $0x10200, s20  }
0x28: {  	p2 =	por $0x1, $0x1;
	[sflag:s5] =	ssyncset.done $0x0;
	s19 =	smul.u32 $0x10200, s18  }
0x29: {  	s21 =	sshll.u32 s18, $0x10;
	[sflag:s5] =	ssyncadd.s32 $0xFFFFC000;
	s30 =	sshrl.u32 s20, $0x2  }
0x2a: {  	s31 =	sshrl.u32 s21, $0x2;
	s21 =	simm.s32 $0x0;
	s19 =	sshrl.u32 s19, $0x2  }
0x2b: {  	s18 =	sor.u32 $0x8000, s30;
	s20 =	sadd.s32 $0x20, s31;
	s19 =	sor.u32 $0x8000, s19  }
.LBB1_3:
0x2c: {  	s22 =	sshll.u32 s21, $0xD  }
0x2d: {  	s22 =	sand.u32 $0x3FFFE000, s22  }
0x2e: {  	s24 =	sadd.s32 s22, s20  }
0x2f: {  	s31 =	smul.u32 $0x8100, s21;
	v3 =	vld [tilespmem:s24+$0x10]  }
0x30: {  	v1 =	vld [tilespmem:s24+$0xFFFFFFF0]  }
0x31: {  	s21 =	sshra.s32 s31, $0x2;
	v0 =	vld [tilespmem:s24+$0x0]  }
0x32: {  	s21 =	sadd.s32 s21, s19;
	v2 =	vld [tilespmem:s24+$0xFFFFFFE0]  }
0x33: {  	s22 =	sadd.s32 $0x0, s21  }
0x34: {  	p1 =	por p2, p2;
	s23 =	simm.s32 $0x4;
	s24 =	sadd.s32 $0x40, s24;
	[tilespmem:s22+$0x1830 ss:$0x81] =	vst.msk $0xffff, v3  }
.LBB1_4:
0x35: {  	v3 =	vld [tilespmem:s24+$0x10];
	p2 =	sne.s32 s23, $0x1FC;
	[tilespmem:s22+$0x810 ss:$0x81] =	vst.msk $0xffff, v1;
	s25 =	smov.u32 s23;
	s23 =	sadd.s32 $0x4, s23  }
.Ltmp3:
0x36: {  	v1 =	vld [tilespmem:s24+$0xFFFFFFF0];
	[tilespmem:s22+$0x1020 ss:$0x81] =	vst.msk $0xffff, v0;
	(pc) =	sbr.rel @p2 .LBB1_4-.Ltmp3, $4  }
0x37: {  	v0 =	vld [tilespmem:s24+$0x0];
	[tilespmem:s22+$0x0 ss:$0x81] =	vst.msk $0xffff, v2  }
0x38: {  	s22 =	sshra.s32 s25, $0x2;
	v2 =	vld [tilespmem:s24+$0xFFFFFFE0]  }
0x39: {  	s22 =	sadd.s32 s22, s21  }
0x3a: {  	s24 =	sadd.s32 $0x40, s24;
	[tilespmem:s22+$0x1830 ss:$0x81] =	vst.msk $0xffff, v3  }
.Ltmp4:
0x3b: {  	(pc) =	sbr.rel @p1 .LBB1_3-.Ltmp4, $4  }
0x3c: {  	_ = 	snop  }
0x3d: {  	[tilespmem:s22+$0x810 ss:$0x81] =	vst.msk $0xffff, v1  }
0x3e: {  	[tilespmem:s22+$0x1020 ss:$0x81] =	vst.msk $0xffff, v0  }
0x3f: {  	s21 =	simm.s32 $0x1;
	p2 =	por $0x0, $0x0;
	[tilespmem:s22+$0x0 ss:$0x81] =	vst.msk $0xffff, v2  }
0x40: {  	s19 =	sshll.u32 s15, $0x3;
	s20 =	sand.u32 $0x78, s15  }
0x41: {  	s17 =	sshll.u32 s17, $0x13;
	s16 =	sshll.u32 s16, $0xF;
	s29 =	sand.u32 $0x7E00, s15  }
.Ltmp5:
0x42: {  	s19 =	sand.u32 $0xC00, s19;
	s17 =	sadd.s32 s2, s17;
	(pc) =	sbr.rel .LBB1_7-.Ltmp5, $4  }
0x43: {  	s30 =	sand.u32 $0x7, s15;
	s19 =	sor.u32 s20, s19;
	s16 =	sadd.s32 s16, s17  }
0x44: {  	s15 =	sshll.u32 s30, $0x12;
	s31 =	sshrl.u32 s19, $0x3;
	s16 =	sadd.s32 s29, s16  }
0x45: {  	s15 =	sor.u32 $0x400, s15;
	s16 =	sadd.s32 s31, s16  }
0x46: {  	[hbm4b:s16+s15] =	stream.strided.scatter [tilespmem:s18], [sflag:$0x2], $0x4000, s10, s15, $0x20;
	[tilespmem:$0x10100] =	vst v63  }
.LBB1_8:
0x47: {  	_ =	sfence.sel $0x180000  }
0x48: {  	s2 =	simm.s32 $0x1;
	[bflag:$0x0] =	sbarrier.arrive $0xFFFF  }
0x49: {  	s31 =	simm.s32 $0x2;
	[sflag:s2] =	ssyncpa.u1 $0x1  }
0x4a: {  	[sflag:s31] =	ssyncpa.u1 $0x1  }
0x4b: {  	p0 =	sne.s32 s0, $0x0;
	_ =	strace $0x9000004A  }
0x4c: {  	s0 =	sadd.s32 @!p0 $0x100000, s1;
	[bflag:$0x2] =	sbarrier.arrive $0xFFFF  }
0x4d: {  	[sflag:s0] =	ssyncadd.tile.s32 @!p0 $0x1;
	_ =	shalt  }
.Lfunc_end1:
_tile_overlayer_lowered:
.L_overlay_start_2:
0x4e: {  	(tag) =	ssettag $0x2  }
0x4f: {  	s0 =	rddreg [dreg:$0x0];
	s2 =	stileid.u32  }
0x50: {  	s1 =	rddreg [dreg:$0x1];
	p0 =	sne.s32 s2, $0x0  }
0x51: {  	s3 =	rddreg [dreg:$0x2];
	[bflag:$0x3] =	sbarrier.arrive $0xFFFF;
	s2 =	simm.s32 @!p0 $0x1C01  }
0x52: {  	[timem:s3], [sflag:s2] =	dma.local @!p0 [hbm:s0], s1  }
0x53: {  	s0 =	simm.s32 @!p0 $0x1  }
0x54: {  	_ =	swait.ge @!p0 [sflag:s0], s1  }
0x55: {  	s1 =	ssub.s32 @!p0 $0x0, s1;
	[sflag:s0] =	ssyncset.done @!p0 $0x0  }
0x56: {  	[sflag:s0] =	ssyncadd.s32 @!p0 s1  }
0x57: {  	[bflag:$0x3] =	sbarrier.arrive $0xFFFF  }
0x58: {  	_ =	shalt  }

// kernel: sparse-core-data-format-call.cloned.1.call-start
scs
called_computation_lowered:
.L_overlay_start_0:
0x0: {  	s2 =	sld [smem:$0x3FD9]  }
0x1: {  	s3 =	sld [smem:$0x3FFE];
	_ =	sdelay $0x1  }
0x2: {  	s1 =	srdreg.scid  }
0x3: {  	s0 =	sand.u32 $0x1, s1  }
0x4: {  	s15 =	sshll.u32 s0, $0xA;
	s2 =	sadd.s32 s3, s2  }
0x5: {  	s2 =	sadd.s32 s2, s15  }
0x6: {  	[smem:$0x3FC6] =	sst s2  }
0x7: {  	_ = 	snop  }
0x8: {  	s2 =	sld [smem:$0x3FD0];
	_ =	sdelay $0x2  }
0x9: {  	s16 =	simm.s32 $0xB;
	s4 =	simm.s32 $0x10  }
0xa: {  	[smem:s4], [sflag:s16] =	dma.local [hbm:s2], $0x1  }
0xb: {  	_ =	swait.eq [sflag:s16], $0x1  }
0xc: {  	[sflag:s16] =	ssyncset.done $0x0  }
0xd: {  	[sflag:s16] =	ssyncadd.s32 $0xFFFFFFFF  }
0xe: {  	s17 =	sld [smem:$0x11];
	(tm) =	ssettm $0x1  }
0xf: {  	s18 =	sld [smem:$0x3FFB];
	_ =	sdelay $0x3  }
0x10: {  	_ =	strace s18  }
0x11: {  	s3 =	sld [smem:$0x3FFC];
	_ =	sdelay $0x3  }
0x12: {  	_ =	strace s3  }
0x13: {  	s3 =	sld [smem:$0x3FFD];
	_ =	sdelay $0x3  }
0x14: {  	_ =	strace s3  }
0x15: {  	_ =	strace $0x8FFFFFFF  }
0x16: {  	s19 =	sld [smem:$0x3FDB];
	_ =	sdelay $0x1  }
0x17: {  	s20 =	simm.s32 $_scs_section_size  }
0x18: {  	s5 =	simm.s32 $_size__tile_overlayer_lowered;
	s6 =	simm.s32 $_tile_overlayer_lowered  }
0x19: {  	s23 =	simm.s32 $0x1BFF;
	s22 =	sshll.u32 s6, $0x1;
	s3 =	sadd.s32 s20, s19  }
0x1a: {  	s7 =	simm.s32 $0x0;
	s21 =	sshll.u32 s5, $0x1;
	s5 =	sadd.s32 s22, s3  }
0x1b: {  	[timem:s7], [sflag:s23] =	dma.local [hbm:s5], s21  }
0x1c: {  	_ =	swait.ge [sflag:s23], s21  }
0x1d: {  	s4 =	ssub.s32 $0x0, s21;
	[sflag:s23] =	ssyncset.done $0x0  }
0x1e: {  	[sflag:s23] =	ssyncadd.s32 s4;
	_ =	sdelay $0x1  }
0x1f: {  	s24 =	simm.s32 $0x1B8B  }
0x20: {  	_ =	swait.ge [sflag:s24], $0x1  }
0x21: {  	[sflag:s24] =	ssyncset.done $0x0  }
0x22: {  	s26 =	simm.s32 $0x1B8E;
	s25 =	sld [smem:$0x3FFE];
	[sflag:s24] =	ssyncadd.s32 $0xFFFFFFFF  }
0x23: {  	s27 =	simm.s32 $execute0_lowered;
	[smem:$0x3FD2] =	sst s26  }
0x24: {  	s5 =	sshll.u32 s27, $0x1;
	_ =	strace $0x80000046;
	[dreg:$0x1] =	wrdreg $0xFFFFFFFF  }
0x25: {  	s28 =	simm.s32 $_size_execute0_lowered;
	s3 =	sadd.s32 s3, s5;
	[dreg:$0x0] =	wrdreg $0x0  }
0x26: {  	s5 =	sshll.u32 s28, $0x1;
	[dreg:$0x2] =	wrdreg s3  }
0x27: {  	[dreg:$0x3] =	wrdreg s5  }
0x28: {  	[dreg:$0x4] =	wrdreg $0xC0  }
0x29: {  	_ =	task [dreg:s7], $0x5FFFF  }
0x2a: {  	[dreg:$0x1] =	wrdreg $0xFFFFFFFF  }
0x2b: {  	[dreg:$0x0] =	wrdreg $0x60  }
0x2c: {  	[dreg:$0x2] =	wrdreg s25  }
0x2d: {  	[dreg:$0x3] =	wrdreg s17  }
0x2e: {  	[dreg:$0x4] =	wrdreg $0x9  }
0x2f: {  	_ =	task.clear_ibuf [dreg:s7], $0x5FFFF;
	_ =	strace $0x90000046  }
0x30: {  	s29 =	simm.s32 $0x9;
	_ =	strace $0x80000048  }
0x31: {  	_ =	swait.ge [sflag:s29], $0x1  }
0x32: {  	[sflag:s29] =	ssyncadd.s32 $0xFFFFFFFF  }
0x33: {  	_ =	strace $0x90000048  }
0x34: {  	_ =	sfence  }
0x35: {  	s30 =	sld [smem:$0x0];
	_ =	sdelay $0x2  }
0x36: {  	s31 =	sshll.u32 s1, $0xD;
	s1 =	sshrl.u32 s1, $0x2  }
0x37: {  	s3 =	sand.u32 $0x4000, s31;
	s1 =	sadd.s32 s1, s30  }
0x38: {  	s0 =	sor.u32 s3, s0;
	s1 =	sshll.u32 s1, $0x11  }
0x39: {  	s0 =	sor.u32 s1, s0  }
0x3a: {  	s0 =	sadd.s32 $0x8F2B, s0  }
0x3b: {  	[sflag:s0] =	ssyncadd.remote.s32 $0x1  }
0x3c: {  	_ =	sfence.sel $0xFFFF  }
0x3d: {  	[dreg:$0x0] =	wrdreg $0xFFFFFFFF;
	(pc) =	sbr.abs _section_cstart, $3  }
0x3e: {  	[dreg:$0x1] =	wrdreg $0xFFFFFFFF  }
0x3f: {  	_ =	task.clear_ibuf [dreg:s7], $0x2FFFF;
	_ =	strace $0x9FFFFFFF  }
0x40: {  	(tm) =	ssettm $0x7FFFFFFF  }
0x41: {  	_ =	shalt  }
tec
execute0_lowered:
.L_overlay_start_1:
0x0: {  	(tag) =	ssettag $0x1  }
0x1: {  	s1 =	srdreg.scid  }
0x2: {  	s0 =	stileid.u32;
	s8 =	rddreg [dreg:$0x0]  }
0x3: {  	s2 =	rddreg [dreg:$0x1];
	s7 =	simm.s32 $0x1;
	s1 =	sshll.u32 s1, $0x4  }
0x4: {  	s9 =	simm.s32 $0x2;
	s15 =	simm.s32 $0x0;
	s1 =	sor.u32 s0, s1  }
0x5: {  	s10 =	simm.s32 $0x8000;
	s16 =	simm.s32 $0x0;
	s1 =	sshrl.u32 s1, $0x2  }
0x6: {  	s17 =	simm.s32 $0x0;
	s11 =	simm.s32 $0x0;
	s3 =	sand.u32 $0x6, s1  }
0x7: {  	s14 =	simm.s32 $0x0;
	s4 =	sadd.s32 $0xE00, s8;
	s6 =	ssub.s32 $0x10, s3  }
0x8: {  	s8 =	sadd.s32 $0x10E00, s8;
	s1 =	rddreg [dreg:$0x2];
	s5 =	sand.u32 $0x6, s6  }
.Ltmp0:
0x9: {  	_ =	strace $0x80000047;
	p0 =	sne.s32 s5, $0x0;
	(pc) =	sbr.rel .LBB1_1-.Ltmp0, $4  }
0xa: {  	s6 =	sshrl.u32 s6, $0x3;
	s5 =	simm.s32 $0x1;
	s7 =	simm.s32 @!p0 $0x0  }
0xb: {  	s12 =	smov.u32 s3;
	[sflag:s5] =	ssyncpa.u1 $0x0;
	s7 =	sadd.s32 s7, s6  }
0xc: {  	p0 =	por $0x0, $0x0;
	s6 =	sand.u32 $0x7, s0;
	s7 =	sshll.u32 s7, $0x5  }
0xd: {  	[sflag:s9] =	ssyncpa.u1 $0x0;
	s13 =	smov.u32 s6;
	s9 =	sor.u32 $0x1, s7  }
.LBB1_7:
0xe: {  	s18 =	sadd.s32 $0x80, s11  }
0xf: {  	s15 =	sadd.s32 $0x8, s12;
	s19 =	smov.u32 s12;
	p2 =	sgt.s32 s18, $0xFFF  }
0x10: {  	s19 =	smov.u32 @p2 s15  }
0x11: {  	s21 =	smov.u32 s13;
	s15 =	sadd.s32 $0x8, s13;
	p3 =	sgt.s32 s19, $0xF  }
0x12: {  	s21 =	smov.u32 @p3 s15  }
0x13: {  	s18 =	simm.s32 @p2 $0x0;
	p2 =	sgt.s32 s21, $0x7  }
0x14: {  	p1 =	slt.u32 s14, $0x2;
	s21 =	smov.u32 @p2 s6;
	p2 =	sne.s32 s14, s9  }
.Ltmp1:
0x15: {  	s20 =	simm.s32 @!p1 $0x2;
	(pc) =	sbr.rel @!p2 .LBB1_8-.Ltmp1, $4  }
0x16: {  	s16 =	smov.u32 s12;
	s17 =	smov.u32 s13;
	_ =	swait.ge @!p1 [sflag:s20], $0x4000  }
0x17: {  	p0 =	por !p0, !p0;
	[sflag:s20] =	ssyncset.done @!p1 $0x0;
	s19 =	smov.u32 @p3 s3  }
0x18: {  	s15 =	smov.u32 s11;
	[sflag:s20] =	ssyncadd.s32 @!p1 $0xFFFFC000;
	s11 =	smov.u32 s18  }
0x19: {  	s12 =	smov.u32 s19;
	s14 =	sadd.s32 $0x1, s14;
	s13 =	smov.u32 s21  }
.LBB1_1:
0x1a: {  	p1 =	sge.u32 s14, s7  }
0x1b: {  	s18 =	sxor.u32 @!p1 $0xFFFFFFFF, s14;
	s19 =	sshll.u32 @!p1 s13, $0x14  }
0x1c: {  	s20 =	sshll.u32 @!p1 s12, $0x10;
	s22 =	sshll.u32 @!p1 s11, $0x4;
	s23 =	simm.s32 @!p1 $0x40  }
0x1d: {  	s24 =	simm.s32 @!p1 $0x80;
	s18 =	sshll.u32 @!p1 s18, $0xE;
	s21 =	sadd.s32 @!p1 s19, s20  }
0x1e: {  	s22 =	sand.u32 @!p1 $0xFFF0, s22;
	s19 =	sadd.s32 @!p1 s19, s8;
	s21 =	sadd.s32 @!p1 s4, s21  }
0x1f: {  	s18 =	sand.u32 @!p1 $0x4000, s18;
	s19 =	sadd.s32 @!p1 s20, s19;
	s21 =	sadd.s32 @!p1 s22, s21  }
0x20: {  	[tilespmem:s18], [sflag:$0x1] =	stream.strided.gather @!p1 [hbm4b:s21+s23], $0x2000, s24, s23, $0x38;
	[tilespmem:$0x10100] =	vst v63  }
0x21: {  	s31 =	sadd.s32 $0xFFFFFFFF, s14;
	s19 =	sadd.s32 @!p1 s22, s19;
	s18 =	sor.u32 @!p1 $0x2000, s18  }
0x22: {  	[tilespmem:s18], [sflag:$0x1] =	stream.strided.gather @!p1 [hbm4b:s19+s23], $0x2000, s24, s23, $0x38;
	[tilespmem:$0x10100] =	vst v63  }
0x23: {  	p1 =	sge.u32 s31, s7  }
.Ltmp2:
0x24: {  	_ = 	snop;
	(pc) =	sbr.rel @p1 .LBB1_7-.Ltmp2, $1  }
0x25: {  	_ =	sdelay $0x3  }
0x26: {  	s18 =	simm.s32 $0x1;
	s20 =	sand.u32 $0x1, s14  }
0x27: {  	_ =	swait.ge [sflag:s5], $0x4000;
	s18 =	simm.s32 @!p0 $0x0;
	s20 =	smul.u32 $0x10200, s20  }
0x28: {  	p2 =	por $0x1, $0x1;
	[sflag:s5] =	ssyncset.done $0x0;
	s19 =	smul.u32 $0x10200, s18  }
0x29: {  	s21 =	sshll.u32 s18, $0x10;
	[sflag:s5] =	ssyncadd.s32 $0xFFFFC000;
	s30 =	sshrl.u32 s20, $0x2  }
0x2a: {  	s31 =	sshrl.u32 s21, $0x2;
	s21 =	simm.s32 $0x0;
	s19 =	sshrl.u32 s19, $0x2  }
0x2b: {  	s18 =	sor.u32 $0x8000, s30;
	s20 =	sadd.s32 $0x20, s31;
	s19 =	sor.u32 $0x8000, s19  }
.LBB1_3:
0x2c: {  	s22 =	sshll.u32 s21, $0xD  }
0x2d: {  	s22 =	sand.u32 $0x3FFFE000, s22  }
0x2e: {  	s24 =	sadd.s32 s22, s20  }
0x2f: {  	s31 =	smul.u32 $0x8100, s21;
	v3 =	vld [tilespmem:s24+$0x10]  }
0x30: {  	v1 =	vld [tilespmem:s24+$0xFFFFFFF0]  }
0x31: {  	s21 =	sshra.s32 s31, $0x2;
	v0 =	vld [tilespmem:s24+$0x0]  }
0x32: {  	s21 =	sadd.s32 s21, s19;
	v2 =	vld [tilespmem:s24+$0xFFFFFFE0]  }
0x33: {  	s22 =	sadd.s32 $0x0, s21  }
0x34: {  	p1 =	por p2, p2;
	s23 =	simm.s32 $0x4;
	s24 =	sadd.s32 $0x40, s24;
	[tilespmem:s22+$0x1830 ss:$0x81] =	vst.msk $0xffff, v3  }
.LBB1_4:
0x35: {  	v3 =	vld [tilespmem:s24+$0x10];
	p2 =	sne.s32 s23, $0x1FC;
	[tilespmem:s22+$0x810 ss:$0x81] =	vst.msk $0xffff, v1;
	s25 =	smov.u32 s23;
	s23 =	sadd.s32 $0x4, s23  }
.Ltmp3:
0x36: {  	v1 =	vld [tilespmem:s24+$0xFFFFFFF0];
	[tilespmem:s22+$0x1020 ss:$0x81] =	vst.msk $0xffff, v0;
	(pc) =	sbr.rel @p2 .LBB1_4-.Ltmp3, $4  }
0x37: {  	v0 =	vld [tilespmem:s24+$0x0];
	[tilespmem:s22+$0x0 ss:$0x81] =	vst.msk $0xffff, v2  }
0x38: {  	s22 =	sshra.s32 s25, $0x2;
	v2 =	vld [tilespmem:s24+$0xFFFFFFE0]  }
0x39: {  	s22 =	sadd.s32 s22, s21  }
0x3a: {  	s24 =	sadd.s32 $0x40, s24;
	[tilespmem:s22+$0x1830 ss:$0x81] =	vst.msk $0xffff, v3  }
.Ltmp4:
0x3b: {  	(pc) =	sbr.rel @p1 .LBB1_3-.Ltmp4, $4  }
0x3c: {  	_ = 	snop  }
0x3d: {  	[tilespmem:s22+$0x810 ss:$0x81] =	vst.msk $0xffff, v1  }
0x3e: {  	[tilespmem:s22+$0x1020 ss:$0x81] =	vst.msk $0xffff, v0  }
0x3f: {  	s21 =	simm.s32 $0x1;
	p2 =	por $0x0, $0x0;
	[tilespmem:s22+$0x0 ss:$0x81] =	vst.msk $0xffff, v2  }
0x40: {  	s19 =	sshll.u32 s15, $0x3;
	s20 =	sand.u32 $0x78, s15  }
0x41: {  	s17 =	sshll.u32 s17, $0x13;
	s16 =	sshll.u32 s16, $0xF;
	s29 =	sand.u32 $0x7E00, s15  }
.Ltmp5:
0x42: {  	s19 =	sand.u32 $0xC00, s19;
	s17 =	sadd.s32 s2, s17;
	(pc) =	sbr.rel .LBB1_7-.Ltmp5, $4  }
0x43: {  	s30 =	sand.u32 $0x7, s15;
	s19 =	sor.u32 s20, s19;
	s16 =	sadd.s32 s16, s17  }
0x44: {  	s15 =	sshll.u32 s30, $0x12;
	s31 =	sshrl.u32 s19, $0x3;
	s16 =	sadd.s32 s29, s16  }
0x45: {  	s15 =	sor.u32 $0x400, s15;
	s16 =	sadd.s32 s31, s16  }
0x46: {  	[hbm4b:s16+s15] =	stream.strided.scatter [tilespmem:s18], [sflag:$0x2], $0x4000, s10, s15, $0x20;
	[tilespmem:$0x10100] =	vst v63  }
.LBB1_8:
0x47: {  	_ =	sfence.sel $0x180000  }
0x48: {  	s2 =	simm.s32 $0x1;
	[bflag:$0x0] =	sbarrier.arrive $0xFFFF  }
0x49: {  	s31 =	simm.s32 $0x2;
	[sflag:s2] =	ssyncpa.u1 $0x1  }
0x4a: {  	[sflag:s31] =	ssyncpa.u1 $0x1  }
0x4b: {  	p0 =	sne.s32 s0, $0x0;
	_ =	strace $0x90000047  }
0x4c: {  	s0 =	sadd.s32 @!p0 $0x100000, s1;
	[bflag:$0x2] =	sbarrier.arrive $0xFFFF  }
0x4d: {  	[sflag:s0] =	ssyncadd.tile.s32 @!p0 $0x1;
	_ =	shalt  }
.Lfunc_end1:
_tile_overlayer_lowered:
.L_overlay_start_2:
0x4e: {  	(tag) =	ssettag $0x2  }
0x4f: {  	s0 =	rddreg [dreg:$0x0];
	s2 =	stileid.u32  }
0x50: {  	s1 =	rddreg [dreg:$0x1];
	p0 =	sne.s32 s2, $0x0  }
0x51: {  	s3 =	rddreg [dreg:$0x2];
	[bflag:$0x3] =	sbarrier.arrive $0xFFFF;
	s2 =	simm.s32 @!p0 $0x1C01  }
0x52: {  	[timem:s3], [sflag:s2] =	dma.local @!p0 [hbm:s0], s1  }
0x53: {  	s0 =	simm.s32 @!p0 $0x1  }
0x54: {  	_ =	swait.ge @!p0 [sflag:s0], s1  }
0x55: {  	s1 =	ssub.s32 @!p0 $0x0, s1;
	[sflag:s0] =	ssyncset.done @!p0 $0x0  }
0x56: {  	[sflag:s0] =	ssyncadd.s32 @!p0 s1  }
0x57: {  	[bflag:$0x3] =	sbarrier.arrive $0xFFFF  }
0x58: {  	_ =	shalt  }

</sc_bundles>
